<compile_context>
chip_gen: v7x
topology: tpu7x:2x2x1
jax: 0.10.2.dev20260603
libtpu: 0.0.44.dev20260713+nightly
codegen_flags: <defaults>
</compile_context>

<pallas_src>
import functools

import jax
import jax.numpy as jnp
from jax import lax
from jax.experimental import pallas as pl
from jax.experimental.pallas import tpu as pltpu
from jax.experimental.pallas import tpu_sc as plsc

_V = 256
_D = 4096
_B = 1024

_NC = 2
_NS = 16
_NW = _NC * _NS
_BPW = _B // _NW
_CHUNK = 8
_NCHUNK = _BPW // _CHUNK
_NBUF = 3


def _gather_kernel(table_hbm, idx_hbm, out_hbm, idx_v, rows_v, *sems):
    gsems, osems = sems[:_NBUF], sems[_NBUF:]
    wid = lax.axis_index("s") * _NC + lax.axis_index("c")
    base = wid * _BPW
    wpb = _V // _BPW
    pltpu.sync_copy(
        idx_hbm.at[wid // wpb, pl.ds((wid % wpb) * _BPW, _BPW)], idx_v)

    def fire_gather(c):
        return pltpu.async_copy(
            table_hbm.at[idx_v.at[pl.ds(c * _CHUNK, _CHUNK)]],
            rows_v.at[c % _NBUF], gsems[c % _NBUF])

    gathers = [None] * _NCHUNK
    outs = [None] * _NCHUNK
    for c in range(min(_NBUF, _NCHUNK)):
        gathers[c] = fire_gather(c)
    for c in range(_NCHUNK):
        buf = c % _NBUF
        gathers[c].wait()
        outs[c] = pltpu.async_copy(
            rows_v.at[buf], out_hbm.at[pl.ds(base + c * _CHUNK, _CHUNK)],
            osems[buf])
        nxt = c + _NBUF
        if nxt < _NCHUNK:
            outs[c].wait()
            gathers[nxt] = fire_gather(nxt)
    for c in range(max(0, _NCHUNK - _NBUF), _NCHUNK):
        outs[c].wait()


@jax.jit
def _gather(indices_2d, embedding_weight):
    mesh = plsc.VectorSubcoreMesh(core_axis_name="c", subcore_axis_name="s")
    run = functools.partial(
        pl.kernel,
        mesh=mesh,
        out_type=jax.ShapeDtypeStruct((_B, _D), jnp.float32),
        scratch_types=[
            pltpu.VMEM((_BPW,), jnp.int32),
            pltpu.VMEM((_NBUF, _CHUNK, _D), jnp.float32),
        ] + [pltpu.SemaphoreType.DMA] * (2 * _NBUF),
    )(_gather_kernel)
    return run(embedding_weight, indices_2d)


def kernel(indices, embedding_weight):
    b, n = indices.shape
    out = _gather(indices.astype(jnp.int32), embedding_weight)
    return out.reshape(b, n, _D)

# --- scband reference (transcript-rebuilt; emitter-appended) ---
"""Pipeline reference for scband-prompt-embedding-7610682048958 (READ-ONLY COPY).

The authoritative reference and input builder live on the scoring server;
editing this copy changes nothing except your own understanding.
"""

import jax, jax.numpy as jnp
import numpy as np

NUM_VIRTUAL_TOKENS = 256
TOKEN_DIM = 4096
BATCH = 4

def setup_inputs(seed: int = 0) -> dict:
    key = jax.random.key(seed)
    k1, k2 = jax.random.split(key)
    indices = jax.random.randint(k1, (BATCH, NUM_VIRTUAL_TOKENS), 0, NUM_VIRTUAL_TOKENS, dtype=jnp.int64 if jax.config.jax_enable_x64 else jnp.int32)
    embedding_weight = jax.random.normal(k2, (NUM_VIRTUAL_TOKENS, TOKEN_DIM), dtype=jnp.float32)
    return {"indices": indices, "embedding_weight": embedding_weight}

def reference(indices, embedding_weight):
    # nn.Embedding lookup: gather rows of the table
    prompt_embeddings = jnp.take(embedding_weight, indices, axis=0)
    return prompt_embeddings

if __name__ == "__main__":
    import jax
    _d = setup_inputs()
    print(jax.jit(kernel)(*tuple(_d.values())))

</pallas_src>

<mosaic_0001>
#map = affine_map<(d0, d1) -> (0, 0)>
module attributes {stable_mosaic.version = 14 : i64} {
  func.func @_gather_kernel(%arg0: i32, %arg1: i32, %arg2: memref<256x4096xf32, #tpu.memory_space<hbm>>, %arg3: memref<4x256xi32, #tpu.memory_space<hbm>>, %arg4: memref<1024x4096xf32, #tpu.memory_space<hbm>>, %arg5: memref<32xi32, #tpu.memory_space<vmem>>, %arg6: memref<3x8x4096xf32, #tpu.memory_space<vmem>>, %arg7: memref<!tpu.dma_semaphore, #tpu.memory_space<semaphore_mem>>, %arg8: memref<!tpu.dma_semaphore, #tpu.memory_space<semaphore_mem>>, %arg9: memref<!tpu.dma_semaphore, #tpu.memory_space<semaphore_mem>>, %arg10: memref<!tpu.dma_semaphore, #tpu.memory_space<semaphore_mem>>, %arg11: memref<!tpu.dma_semaphore, #tpu.memory_space<semaphore_mem>>, %arg12: memref<!tpu.dma_semaphore, #tpu.memory_space<semaphore_mem>>) attributes {dimension_semantics = [#tpu.dimension_semantics<core_parallel>, #tpu.dimension_semantics<subcore_parallel>], iteration_bounds = array<i64: 2, 16>, scalar_prefetch = 0 : i64, scratch_operands = 8 : i64, tpu.core_type = #tpu.core_type<sc_vector_subcore>, window_params = [{transform_indices = #map}, {transform_indices = #map}, {transform_indices = #map}]} {
    %mul3A = arith.constant 2 : i32
    %mul3A_0 = arith.muli %arg1, %mul3A : i32
    %add3A = arith.addi %mul3A_0, %arg0 : i32
    %mul3A_1 = arith.constant 32 : i32
    %mul3A_2 = arith.muli %add3A, %mul3A_1 : i32
    %jit3A = arith.constant 8 : i32
    %div3A = arith.divsi %add3A, %jit3A : i32
    %sign3A = arith.constant 0 : i32
    %sign3A_3 = arith.cmpi sgt, %add3A, %sign3A : i32
    %sign3A_4 = arith.extui %sign3A_3 : i1 to i32
    %sign3A_5 = arith.constant 0 : i32
    %sign3A_6 = arith.cmpi slt, %add3A, %sign3A_5 : i32
    %sign3A_7 = arith.extui %sign3A_6 : i1 to i32
    %sign3A_8 = arith.subi %sign3A_4, %sign3A_7 : i32
    %sign3A_9 = arith.constant 0 : i32
    %sign3A_10 = arith.cmpi sgt, %jit3A, %sign3A_9 : i32
    %sign3A_11 = arith.extui %sign3A_10 : i1 to i32
    %sign3A_12 = arith.constant 0 : i32
    %sign3A_13 = arith.cmpi slt, %jit3A, %sign3A_12 : i32
    %sign3A_14 = arith.extui %sign3A_13 : i1 to i32
    %sign3A_15 = arith.subi %sign3A_11, %sign3A_14 : i32
    %ne3A = arith.cmpi ne, %sign3A_8, %sign3A_15 : i32
    %rem3A = arith.remsi %add3A, %jit3A : i32
    %ne3A_16 = arith.constant 0 : i32
    %ne3A_17 = arith.cmpi ne, %rem3A, %ne3A_16 : i32
    %and3A = arith.andi %ne3A, %ne3A_17 : i1
    %sub3A = arith.constant 1 : i32
    %sub3A_18 = arith.subi %div3A, %sub3A : i32
    %select_n3A = arith.select %and3A, %sub3A_18, %div3A : i32
    %jit3A_19 = arith.constant 8 : i32
    %eq3A = arith.constant 0 : i32
    %eq3A_20 = arith.cmpi eq, %jit3A_19, %eq3A : i32
    %jit3A_21 = arith.constant 1 : i32
    %select_n3A_22 = arith.select %eq3A_20, %jit3A_21, %jit3A_19 : i32
    %rem3A_23 = arith.remsi %add3A, %select_n3A_22 : i32
    %ne3A_24 = arith.constant 0 : i32
    %ne3A_25 = arith.cmpi ne, %rem3A_23, %ne3A_24 : i32
    %lt3A = arith.constant 0 : i32
    %lt3A_26 = arith.cmpi slt, %rem3A_23, %lt3A : i32
    %lt3A_27 = arith.constant 0 : i32
    %lt3A_28 = arith.cmpi slt, %select_n3A_22, %lt3A_27 : i32
    %ne3A_29 = arith.xori %lt3A_26, %lt3A_28 : i1
    %and3A_30 = arith.andi %ne3A_29, %ne3A_25 : i1
    %add3A_31 = arith.addi %rem3A_23, %select_n3A_22 : i32
    %select_n3A_32 = arith.select %and3A_30, %add3A_31, %rem3A_23 : i32
    %mul3A_33 = arith.constant 32 : i32
    %mul3A_34 = arith.muli %select_n3A_32, %mul3A_33 : i32
    "tpu.region"() ({
      %run_scoped3A = tpu.sem_alloc : memref<!tpu.dma_semaphore, #tpu.memory_space<semaphore_mem>>
      %dma_start3A_225 = tpu.memref_slice %arg3[%select_n3A, %mul3A_34] : memref<4x256xi32, #tpu.memory_space<hbm>> -> memref<1x32xi32, #tpu.memory_space<hbm>>
      %dma_start3A_226 = tpu.memref_squeeze %dma_start3A_225 : memref<1x32xi32, #tpu.memory_space<hbm>> -> memref<32xi32, #tpu.memory_space<hbm>>
      %dma_start3A_227 = tpu.memref_slice %arg3[%select_n3A, %mul3A_34] : memref<4x256xi32, #tpu.memory_space<hbm>> -> memref<1x32xi32, #tpu.memory_space<hbm>>
      %dma_start3A_228 = tpu.memref_squeeze %dma_start3A_227 : memref<1x32xi32, #tpu.memory_space<hbm>> -> memref<32xi32, #tpu.memory_space<hbm>>
      tpu.enqueue_dma source(%dma_start3A_228 : memref<32xi32, #tpu.memory_space<hbm>>) target(%arg5 : memref<32xi32, #tpu.memory_space<vmem>>) target_semaphore(%run_scoped3A : memref<!tpu.dma_semaphore, #tpu.memory_space<semaphore_mem>>)
      %dma_wait3A_229 = tpu.memref_slice %arg3[%select_n3A, %mul3A_34] : memref<4x256xi32, #tpu.memory_space<hbm>> -> memref<1x32xi32, #tpu.memory_space<hbm>>
      %dma_wait3A_230 = tpu.memref_squeeze %dma_wait3A_229 : memref<1x32xi32, #tpu.memory_space<hbm>> -> memref<32xi32, #tpu.memory_space<hbm>>
      %dma_wait3A_231 = tpu.memref_slice %arg3[%select_n3A, %mul3A_34] : memref<4x256xi32, #tpu.memory_space<hbm>> -> memref<1x32xi32, #tpu.memory_space<hbm>>
      %dma_wait3A_232 = tpu.memref_squeeze %dma_wait3A_231 : memref<1x32xi32, #tpu.memory_space<hbm>> -> memref<32xi32, #tpu.memory_space<hbm>>
      tpu.wait_dma2 semaphore(%run_scoped3A : memref<!tpu.dma_semaphore, #tpu.memory_space<semaphore_mem>>) src(%dma_wait3A_232 : memref<32xi32, #tpu.memory_space<hbm>>) dst(%arg5 : memref<32xi32, #tpu.memory_space<vmem>>)
      tpu.yield
    }) : () -> ()
    %dma_start3A = arith.constant 0 : i32
    %dma_start3A_35 = arith.constant 0 : i32
    %dma_start3A_36 = arith.constant 0 : i32
    %dma_start3A_37 = tpu.memref_slice %arg6[%dma_start3A, %dma_start3A_35, %dma_start3A_36] : memref<3x8x4096xf32, #tpu.memory_space<vmem>> -> memref<1x8x4096xf32, #tpu.memory_space<vmem>>
    %dma_start3A_38 = tpu.memref_squeeze %dma_start3A_37 : memref<1x8x4096xf32, #tpu.memory_space<vmem>> -> memref<8x4096xf32, #tpu.memory_space<vmem>>
    %dma_start3A_39 = arith.constant 0 : i32
    %dma_start3A_40 = tpu.memref_slice %arg5[%dma_start3A_39] : memref<32xi32, #tpu.memory_space<vmem>> -> memref<8xi32, #tpu.memory_space<vmem>>
    %dma_start3A_41 = arith.constant 0 : i32
    %dma_start3A_42 = arith.constant 0 : i32
    %dma_start3A_43 = tpu.memref_slice %arg2[%dma_start3A_41, %dma_start3A_42] : memref<256x4096xf32, #tpu.memory_space<hbm>> -> memref<256x4096xf32, #tpu.memory_space<hbm>>
    tpu.enqueue_indirect_dma source(%dma_start3A_43 : memref<256x4096xf32, #tpu.memory_space<hbm>>) target(%dma_start3A_38 : memref<8x4096xf32, #tpu.memory_space<vmem>>) offsets(%dma_start3A_40 : memref<8xi32, #tpu.memory_space<vmem>>) semaphore(%arg7 : memref<!tpu.dma_semaphore, #tpu.memory_space<semaphore_mem>>)
    %dma_start3A_44 = arith.constant 1 : i32
    %dma_start3A_45 = arith.constant 0 : i32
    %dma_start3A_46 = arith.constant 0 : i32
    %dma_start3A_47 = tpu.memref_slice %arg6[%dma_start3A_44, %dma_start3A_45, %dma_start3A_46] : memref<3x8x4096xf32, #tpu.memory_space<vmem>> -> memref<1x8x4096xf32, #tpu.memory_space<vmem>>
    %dma_start3A_48 = tpu.memref_squeeze %dma_start3A_47 : memref<1x8x4096xf32, #tpu.memory_space<vmem>> -> memref<8x4096xf32, #tpu.memory_space<vmem>>
    %dma_start3A_49 = arith.constant 8 : i32
    %dma_start3A_50 = tpu.memref_slice %arg5[%dma_start3A_49] : memref<32xi32, #tpu.memory_space<vmem>> -> memref<8xi32, #tpu.memory_space<vmem>>
    %dma_start3A_51 = arith.constant 0 : i32
    %dma_start3A_52 = arith.constant 0 : i32
    %dma_start3A_53 = tpu.memref_slice %arg2[%dma_start3A_51, %dma_start3A_52] : memref<256x4096xf32, #tpu.memory_space<hbm>> -> memref<256x4096xf32, #tpu.memory_space<hbm>>
    tpu.enqueue_indirect_dma source(%dma_start3A_53 : memref<256x4096xf32, #tpu.memory_space<hbm>>) target(%dma_start3A_48 : memref<8x4096xf32, #tpu.memory_space<vmem>>) offsets(%dma_start3A_50 : memref<8xi32, #tpu.memory_space<vmem>>) semaphore(%arg8 : memref<!tpu.dma_semaphore, #tpu.memory_space<semaphore_mem>>)
    %dma_start3A_54 = arith.constant 2 : i32
    %dma_start3A_55 = arith.constant 0 : i32
    %dma_start3A_56 = arith.constant 0 : i32
    %dma_start3A_57 = tpu.memref_slice %arg6[%dma_start3A_54, %dma_start3A_55, %dma_start3A_56] : memref<3x8x4096xf32, #tpu.memory_space<vmem>> -> memref<1x8x4096xf32, #tpu.memory_space<vmem>>
    %dma_start3A_58 = tpu.memref_squeeze %dma_start3A_57 : memref<1x8x4096xf32, #tpu.memory_space<vmem>> -> memref<8x4096xf32, #tpu.memory_space<vmem>>
    %dma_start3A_59 = arith.constant 16 : i32
    %dma_start3A_60 = tpu.memref_slice %arg5[%dma_start3A_59] : memref<32xi32, #tpu.memory_space<vmem>> -> memref<8xi32, #tpu.memory_space<vmem>>
    %dma_start3A_61 = arith.constant 0 : i32
    %dma_start3A_62 = arith.constant 0 : i32
    %dma_start3A_63 = tpu.memref_slice %arg2[%dma_start3A_61, %dma_start3A_62] : memref<256x4096xf32, #tpu.memory_space<hbm>> -> memref<256x4096xf32, #tpu.memory_space<hbm>>
    tpu.enqueue_indirect_dma source(%dma_start3A_63 : memref<256x4096xf32, #tpu.memory_space<hbm>>) target(%dma_start3A_58 : memref<8x4096xf32, #tpu.memory_space<vmem>>) offsets(%dma_start3A_60 : memref<8xi32, #tpu.memory_space<vmem>>) semaphore(%arg9 : memref<!tpu.dma_semaphore, #tpu.memory_space<semaphore_mem>>)
    %dma_wait3A = arith.constant 0 : i32
    %dma_wait3A_64 = arith.constant 0 : i32
    %dma_wait3A_65 = arith.constant 0 : i32
    %dma_wait3A_66 = tpu.memref_slice %arg6[%dma_wait3A, %dma_wait3A_64, %dma_wait3A_65] : memref<3x8x4096xf32, #tpu.memory_space<vmem>> -> memref<1x8x4096xf32, #tpu.memory_space<vmem>>
    %dma_wait3A_67 = tpu.memref_squeeze %dma_wait3A_66 : memref<1x8x4096xf32, #tpu.memory_space<vmem>> -> memref<8x4096xf32, #tpu.memory_space<vmem>>
    %dma_wait3A_68 = arith.constant 0 : i32
    %dma_wait3A_69 = tpu.memref_slice %arg5[%dma_wait3A_68] : memref<32xi32, #tpu.memory_space<vmem>> -> memref<8xi32, #tpu.memory_space<vmem>>
    %dma_wait3A_70 = arith.constant 0 : i32
    %dma_wait3A_71 = arith.constant 0 : i32
    %dma_wait3A_72 = tpu.memref_slice %arg2[%dma_wait3A_70, %dma_wait3A_71] : memref<256x4096xf32, #tpu.memory_space<hbm>> -> memref<256x4096xf32, #tpu.memory_space<hbm>>
    tpu.wait_indirect_dma semaphore(%arg7 : memref<!tpu.dma_semaphore, #tpu.memory_space<semaphore_mem>>) src(%dma_wait3A_72 : memref<256x4096xf32, #tpu.memory_space<hbm>>) dst(%dma_wait3A_67 : memref<8x4096xf32, #tpu.memory_space<vmem>>)
    %add3A_73 = arith.constant 0 : i32
    %add3A_74 = arith.addi %mul3A_2, %add3A_73 : i32
    %dma_start3A_75 = arith.constant 0 : i32
    %dma_start3A_76 = arith.constant 0 : i32
    %dma_start3A_77 = arith.constant 0 : i32
    %dma_start3A_78 = tpu.memref_slice %arg6[%dma_start3A_75, %dma_start3A_76, %dma_start3A_77] : memref<3x8x4096xf32, #tpu.memory_space<vmem>> -> memref<1x8x4096xf32, #tpu.memory_space<vmem>>
    %dma_start3A_79 = tpu.memref_squeeze %dma_start3A_78 : memref<1x8x4096xf32, #tpu.memory_space<vmem>> -> memref<8x4096xf32, #tpu.memory_space<vmem>>
    %dma_start3A_80 = arith.constant 0 : i32
    %dma_start3A_81 = tpu.memref_slice %arg4[%add3A_74, %dma_start3A_80] : memref<1024x4096xf32, #tpu.memory_space<hbm>> -> memref<8x4096xf32, #tpu.memory_space<hbm>>
    %dma_start3A_82 = arith.constant 0 : i32
    %dma_start3A_83 = tpu.memref_slice %arg4[%add3A_74, %dma_start3A_82] : memref<1024x4096xf32, #tpu.memory_space<hbm>> -> memref<8x4096xf32, #tpu.memory_space<hbm>>
    %dma_start3A_84 = arith.constant 0 : i32
    %dma_start3A_85 = arith.constant 0 : i32
    %dma_start3A_86 = tpu.memref_slice %arg6[%dma_start3A_75, %dma_start3A_84, %dma_start3A_85] : memref<3x8x4096xf32, #tpu.memory_space<vmem>> -> memref<1x8x4096xf32, #tpu.memory_space<vmem>>
    %dma_start3A_87 = tpu.memref_squeeze %dma_start3A_86 : memref<1x8x4096xf32, #tpu.memory_space<vmem>> -> memref<8x4096xf32, #tpu.memory_space<vmem>>
    tpu.enqueue_dma source(%dma_start3A_87 : memref<8x4096xf32, #tpu.memory_space<vmem>>) target(%dma_start3A_83 : memref<8x4096xf32, #tpu.memory_space<hbm>>) target_semaphore(%arg10 : memref<!tpu.dma_semaphore, #tpu.memory_space<semaphore_mem>>)
    %dma_wait3A_88 = arith.constant 0 : i32
    %dma_wait3A_89 = arith.constant 0 : i32
    %dma_wait3A_90 = arith.constant 0 : i32
    %dma_wait3A_91 = tpu.memref_slice %arg6[%dma_wait3A_88, %dma_wait3A_89, %dma_wait3A_90] : memref<3x8x4096xf32, #tpu.memory_space<vmem>> -> memref<1x8x4096xf32, #tpu.memory_space<vmem>>
    %dma_wait3A_92 = tpu.memref_squeeze %dma_wait3A_91 : memref<1x8x4096xf32, #tpu.memory_space<vmem>> -> memref<8x4096xf32, #tpu.memory_space<vmem>>
    %dma_wait3A_93 = arith.constant 0 : i32
    %dma_wait3A_94 = tpu.memref_slice %arg4[%add3A_74, %dma_wait3A_93] : memref<1024x4096xf32, #tpu.memory_space<hbm>> -> memref<8x4096xf32, #tpu.memory_space<hbm>>
    %dma_wait3A_95 = arith.constant 0 : i32
    %dma_wait3A_96 = tpu.memref_slice %arg4[%add3A_74, %dma_wait3A_95] : memref<1024x4096xf32, #tpu.memory_space<hbm>> -> memref<8x4096xf32, #tpu.memory_space<hbm>>
    %dma_wait3A_97 = arith.constant 0 : i32
    %dma_wait3A_98 = arith.constant 0 : i32
    %dma_wait3A_99 = tpu.memref_slice %arg6[%dma_wait3A_88, %dma_wait3A_97, %dma_wait3A_98] : memref<3x8x4096xf32, #tpu.memory_space<vmem>> -> memref<1x8x4096xf32, #tpu.memory_space<vmem>>
    %dma_wait3A_100 = tpu.memref_squeeze %dma_wait3A_99 : memref<1x8x4096xf32, #tpu.memory_space<vmem>> -> memref<8x4096xf32, #tpu.memory_space<vmem>>
    tpu.wait_dma2 semaphore(%arg10 : memref<!tpu.dma_semaphore, #tpu.memory_space<semaphore_mem>>) src(%dma_wait3A_100 : memref<8x4096xf32, #tpu.memory_space<vmem>>) dst(%dma_wait3A_96 : memref<8x4096xf32, #tpu.memory_space<hbm>>)
    %dma_start3A_101 = arith.constant 0 : i32
    %dma_start3A_102 = arith.constant 0 : i32
    %dma_start3A_103 = arith.constant 0 : i32
    %dma_start3A_104 = tpu.memref_slice %arg6[%dma_start3A_101, %dma_start3A_102, %dma_start3A_103] : memref<3x8x4096xf32, #tpu.memory_space<vmem>> -> memref<1x8x4096xf32, #tpu.memory_space<vmem>>
    %dma_start3A_105 = tpu.memref_squeeze %dma_start3A_104 : memref<1x8x4096xf32, #tpu.memory_space<vmem>> -> memref<8x4096xf32, #tpu.memory_space<vmem>>
    %dma_start3A_106 = arith.constant 24 : i32
    %dma_start3A_107 = tpu.memref_slice %arg5[%dma_start3A_106] : memref<32xi32, #tpu.memory_space<vmem>> -> memref<8xi32, #tpu.memory_space<vmem>>
    %dma_start3A_108 = arith.constant 0 : i32
    %dma_start3A_109 = arith.constant 0 : i32
    %dma_start3A_110 = tpu.memref_slice %arg2[%dma_start3A_108, %dma_start3A_109] : memref<256x4096xf32, #tpu.memory_space<hbm>> -> memref<256x4096xf32, #tpu.memory_space<hbm>>
    tpu.enqueue_indirect_dma source(%dma_start3A_110 : memref<256x4096xf32, #tpu.memory_space<hbm>>) target(%dma_start3A_105 : memref<8x4096xf32, #tpu.memory_space<vmem>>) offsets(%dma_start3A_107 : memref<8xi32, #tpu.memory_space<vmem>>) semaphore(%arg7 : memref<!tpu.dma_semaphore, #tpu.memory_space<semaphore_mem>>)
    %dma_wait3A_111 = arith.constant 1 : i32
    %dma_wait3A_112 = arith.constant 0 : i32
    %dma_wait3A_113 = arith.constant 0 : i32
    %dma_wait3A_114 = tpu.memref_slice %arg6[%dma_wait3A_111, %dma_wait3A_112, %dma_wait3A_113] : memref<3x8x4096xf32, #tpu.memory_space<vmem>> -> memref<1x8x4096xf32, #tpu.memory_space<vmem>>
    %dma_wait3A_115 = tpu.memref_squeeze %dma_wait3A_114 : memref<1x8x4096xf32, #tpu.memory_space<vmem>> -> memref<8x4096xf32, #tpu.memory_space<vmem>>
    %dma_wait3A_116 = arith.constant 8 : i32
    %dma_wait3A_117 = tpu.memref_slice %arg5[%dma_wait3A_116] : memref<32xi32, #tpu.memory_space<vmem>> -> memref<8xi32, #tpu.memory_space<vmem>>
    %dma_wait3A_118 = arith.constant 0 : i32
    %dma_wait3A_119 = arith.constant 0 : i32
    %dma_wait3A_120 = tpu.memref_slice %arg2[%dma_wait3A_118, %dma_wait3A_119] : memref<256x4096xf32, #tpu.memory_space<hbm>> -> memref<256x4096xf32, #tpu.memory_space<hbm>>
    tpu.wait_indirect_dma semaphore(%arg8 : memref<!tpu.dma_semaphore, #tpu.memory_space<semaphore_mem>>) src(%dma_wait3A_120 : memref<256x4096xf32, #tpu.memory_space<hbm>>) dst(%dma_wait3A_115 : memref<8x4096xf32, #tpu.memory_space<vmem>>)
    %add3A_121 = arith.constant 8 : i32
    %add3A_122 = arith.addi %mul3A_2, %add3A_121 : i32
    %dma_start3A_123 = arith.constant 1 : i32
    %dma_start3A_124 = arith.constant 0 : i32
    %dma_start3A_125 = arith.constant 0 : i32
    %dma_start3A_126 = tpu.memref_slice %arg6[%dma_start3A_123, %dma_start3A_124, %dma_start3A_125] : memref<3x8x4096xf32, #tpu.memory_space<vmem>> -> memref<1x8x4096xf32, #tpu.memory_space<vmem>>
    %dma_start3A_127 = tpu.memref_squeeze %dma_start3A_126 : memref<1x8x4096xf32, #tpu.memory_space<vmem>> -> memref<8x4096xf32, #tpu.memory_space<vmem>>
    %dma_start3A_128 = arith.constant 0 : i32
    %dma_start3A_129 = tpu.memref_slice %arg4[%add3A_122, %dma_start3A_128] : memref<1024x4096xf32, #tpu.memory_space<hbm>> -> memref<8x4096xf32, #tpu.memory_space<hbm>>
    %dma_start3A_130 = arith.constant 0 : i32
    %dma_start3A_131 = tpu.memref_slice %arg4[%add3A_122, %dma_start3A_130] : memref<1024x4096xf32, #tpu.memory_space<hbm>> -> memref<8x4096xf32, #tpu.memory_space<hbm>>
    %dma_start3A_132 = arith.constant 0 : i32
    %dma_start3A_133 = arith.constant 0 : i32
    %dma_start3A_134 = tpu.memref_slice %arg6[%dma_start3A_123, %dma_start3A_132, %dma_start3A_133] : memref<3x8x4096xf32, #tpu.memory_space<vmem>> -> memref<1x8x4096xf32, #tpu.memory_space<vmem>>
    %dma_start3A_135 = tpu.memref_squeeze %dma_start3A_134 : memref<1x8x4096xf32, #tpu.memory_space<vmem>> -> memref<8x4096xf32, #tpu.memory_space<vmem>>
    tpu.enqueue_dma source(%dma_start3A_135 : memref<8x4096xf32, #tpu.memory_space<vmem>>) target(%dma_start3A_131 : memref<8x4096xf32, #tpu.memory_space<hbm>>) target_semaphore(%arg11 : memref<!tpu.dma_semaphore, #tpu.memory_space<semaphore_mem>>)
    %dma_wait3A_136 = arith.constant 2 : i32
    %dma_wait3A_137 = arith.constant 0 : i32
    %dma_wait3A_138 = arith.constant 0 : i32
    %dma_wait3A_139 = tpu.memref_slice %arg6[%dma_wait3A_136, %dma_wait3A_137, %dma_wait3A_138] : memref<3x8x4096xf32, #tpu.memory_space<vmem>> -> memref<1x8x4096xf32, #tpu.memory_space<vmem>>
    %dma_wait3A_140 = tpu.memref_squeeze %dma_wait3A_139 : memref<1x8x4096xf32, #tpu.memory_space<vmem>> -> memref<8x4096xf32, #tpu.memory_space<vmem>>
    %dma_wait3A_141 = arith.constant 16 : i32
    %dma_wait3A_142 = tpu.memref_slice %arg5[%dma_wait3A_141] : memref<32xi32, #tpu.memory_space<vmem>> -> memref<8xi32, #tpu.memory_space<vmem>>
    %dma_wait3A_143 = arith.constant 0 : i32
    %dma_wait3A_144 = arith.constant 0 : i32
    %dma_wait3A_145 = tpu.memref_slice %arg2[%dma_wait3A_143, %dma_wait3A_144] : memref<256x4096xf32, #tpu.memory_space<hbm>> -> memref<256x4096xf32, #tpu.memory_space<hbm>>
    tpu.wait_indirect_dma semaphore(%arg9 : memref<!tpu.dma_semaphore, #tpu.memory_space<semaphore_mem>>) src(%dma_wait3A_145 : memref<256x4096xf32, #tpu.memory_space<hbm>>) dst(%dma_wait3A_140 : memref<8x4096xf32, #tpu.memory_space<vmem>>)
    %add3A_146 = arith.constant 16 : i32
    %add3A_147 = arith.addi %mul3A_2, %add3A_146 : i32
    %dma_start3A_148 = arith.constant 2 : i32
    %dma_start3A_149 = arith.constant 0 : i32
    %dma_start3A_150 = arith.constant 0 : i32
    %dma_start3A_151 = tpu.memref_slice %arg6[%dma_start3A_148, %dma_start3A_149, %dma_start3A_150] : memref<3x8x4096xf32, #tpu.memory_space<vmem>> -> memref<1x8x4096xf32, #tpu.memory_space<vmem>>
    %dma_start3A_152 = tpu.memref_squeeze %dma_start3A_151 : memref<1x8x4096xf32, #tpu.memory_space<vmem>> -> memref<8x4096xf32, #tpu.memory_space<vmem>>
    %dma_start3A_153 = arith.constant 0 : i32
    %dma_start3A_154 = tpu.memref_slice %arg4[%add3A_147, %dma_start3A_153] : memref<1024x4096xf32, #tpu.memory_space<hbm>> -> memref<8x4096xf32, #tpu.memory_space<hbm>>
    %dma_start3A_155 = arith.constant 0 : i32
    %dma_start3A_156 = tpu.memref_slice %arg4[%add3A_147, %dma_start3A_155] : memref<1024x4096xf32, #tpu.memory_space<hbm>> -> memref<8x4096xf32, #tpu.memory_space<hbm>>
    %dma_start3A_157 = arith.constant 0 : i32
    %dma_start3A_158 = arith.constant 0 : i32
    %dma_start3A_159 = tpu.memref_slice %arg6[%dma_start3A_148, %dma_start3A_157, %dma_start3A_158] : memref<3x8x4096xf32, #tpu.memory_space<vmem>> -> memref<1x8x4096xf32, #tpu.memory_space<vmem>>
    %dma_start3A_160 = tpu.memref_squeeze %dma_start3A_159 : memref<1x8x4096xf32, #tpu.memory_space<vmem>> -> memref<8x4096xf32, #tpu.memory_space<vmem>>
    tpu.enqueue_dma source(%dma_start3A_160 : memref<8x4096xf32, #tpu.memory_space<vmem>>) target(%dma_start3A_156 : memref<8x4096xf32, #tpu.memory_space<hbm>>) target_semaphore(%arg12 : memref<!tpu.dma_semaphore, #tpu.memory_space<semaphore_mem>>)
    %dma_wait3A_161 = arith.constant 0 : i32
    %dma_wait3A_162 = arith.constant 0 : i32
    %dma_wait3A_163 = arith.constant 0 : i32
    %dma_wait3A_164 = tpu.memref_slice %arg6[%dma_wait3A_161, %dma_wait3A_162, %dma_wait3A_163] : memref<3x8x4096xf32, #tpu.memory_space<vmem>> -> memref<1x8x4096xf32, #tpu.memory_space<vmem>>
    %dma_wait3A_165 = tpu.memref_squeeze %dma_wait3A_164 : memref<1x8x4096xf32, #tpu.memory_space<vmem>> -> memref<8x4096xf32, #tpu.memory_space<vmem>>
    %dma_wait3A_166 = arith.constant 24 : i32
    %dma_wait3A_167 = tpu.memref_slice %arg5[%dma_wait3A_166] : memref<32xi32, #tpu.memory_space<vmem>> -> memref<8xi32, #tpu.memory_space<vmem>>
    %dma_wait3A_168 = arith.constant 0 : i32
    %dma_wait3A_169 = arith.constant 0 : i32
    %dma_wait3A_170 = tpu.memref_slice %arg2[%dma_wait3A_168, %dma_wait3A_169] : memref<256x4096xf32, #tpu.memory_space<hbm>> -> memref<256x4096xf32, #tpu.memory_space<hbm>>
    tpu.wait_indirect_dma semaphore(%arg7 : memref<!tpu.dma_semaphore, #tpu.memory_space<semaphore_mem>>) src(%dma_wait3A_170 : memref<256x4096xf32, #tpu.memory_space<hbm>>) dst(%dma_wait3A_165 : memref<8x4096xf32, #tpu.memory_space<vmem>>)
    %add3A_171 = arith.constant 24 : i32
    %add3A_172 = arith.addi %mul3A_2, %add3A_171 : i32
    %dma_start3A_173 = arith.constant 0 : i32
    %dma_start3A_174 = arith.constant 0 : i32
    %dma_start3A_175 = arith.constant 0 : i32
    %dma_start3A_176 = tpu.memref_slice %arg6[%dma_start3A_173, %dma_start3A_174, %dma_start3A_175] : memref<3x8x4096xf32, #tpu.memory_space<vmem>> -> memref<1x8x4096xf32, #tpu.memory_space<vmem>>
    %dma_start3A_177 = tpu.memref_squeeze %dma_start3A_176 : memref<1x8x4096xf32, #tpu.memory_space<vmem>> -> memref<8x4096xf32, #tpu.memory_space<vmem>>
    %dma_start3A_178 = arith.constant 0 : i32
    %dma_start3A_179 = tpu.memref_slice %arg4[%add3A_172, %dma_start3A_178] : memref<1024x4096xf32, #tpu.memory_space<hbm>> -> memref<8x4096xf32, #tpu.memory_space<hbm>>
    %dma_start3A_180 = arith.constant 0 : i32
    %dma_start3A_181 = tpu.memref_slice %arg4[%add3A_172, %dma_start3A_180] : memref<1024x4096xf32, #tpu.memory_space<hbm>> -> memref<8x4096xf32, #tpu.memory_space<hbm>>
    %dma_start3A_182 = arith.constant 0 : i32
    %dma_start3A_183 = arith.constant 0 : i32
    %dma_start3A_184 = tpu.memref_slice %arg6[%dma_start3A_173, %dma_start3A_182, %dma_start3A_183] : memref<3x8x4096xf32, #tpu.memory_space<vmem>> -> memref<1x8x4096xf32, #tpu.memory_space<vmem>>
    %dma_start3A_185 = tpu.memref_squeeze %dma_start3A_184 : memref<1x8x4096xf32, #tpu.memory_space<vmem>> -> memref<8x4096xf32, #tpu.memory_space<vmem>>
    tpu.enqueue_dma source(%dma_start3A_185 : memref<8x4096xf32, #tpu.memory_space<vmem>>) target(%dma_start3A_181 : memref<8x4096xf32, #tpu.memory_space<hbm>>) target_semaphore(%arg10 : memref<!tpu.dma_semaphore, #tpu.memory_space<semaphore_mem>>)
    %dma_wait3A_186 = arith.constant 1 : i32
    %dma_wait3A_187 = arith.constant 0 : i32
    %dma_wait3A_188 = arith.constant 0 : i32
    %dma_wait3A_189 = tpu.memref_slice %arg6[%dma_wait3A_186, %dma_wait3A_187, %dma_wait3A_188] : memref<3x8x4096xf32, #tpu.memory_space<vmem>> -> memref<1x8x4096xf32, #tpu.memory_space<vmem>>
    %dma_wait3A_190 = tpu.memref_squeeze %dma_wait3A_189 : memref<1x8x4096xf32, #tpu.memory_space<vmem>> -> memref<8x4096xf32, #tpu.memory_space<vmem>>
    %dma_wait3A_191 = arith.constant 0 : i32
    %dma_wait3A_192 = tpu.memref_slice %arg4[%add3A_122, %dma_wait3A_191] : memref<1024x4096xf32, #tpu.memory_space<hbm>> -> memref<8x4096xf32, #tpu.memory_space<hbm>>
    %dma_wait3A_193 = arith.constant 0 : i32
    %dma_wait3A_194 = tpu.memref_slice %arg4[%add3A_122, %dma_wait3A_193] : memref<1024x4096xf32, #tpu.memory_space<hbm>> -> memref<8x4096xf32, #tpu.memory_space<hbm>>
    %dma_wait3A_195 = arith.constant 0 : i32
    %dma_wait3A_196 = arith.constant 0 : i32
    %dma_wait3A_197 = tpu.memref_slice %arg6[%dma_wait3A_186, %dma_wait3A_195, %dma_wait3A_196] : memref<3x8x4096xf32, #tpu.memory_space<vmem>> -> memref<1x8x4096xf32, #tpu.memory_space<vmem>>
    %dma_wait3A_198 = tpu.memref_squeeze %dma_wait3A_197 : memref<1x8x4096xf32, #tpu.memory_space<vmem>> -> memref<8x4096xf32, #tpu.memory_space<vmem>>
    tpu.wait_dma2 semaphore(%arg11 : memref<!tpu.dma_semaphore, #tpu.memory_space<semaphore_mem>>) src(%dma_wait3A_198 : memref<8x4096xf32, #tpu.memory_space<vmem>>) dst(%dma_wait3A_194 : memref<8x4096xf32, #tpu.memory_space<hbm>>)
    %dma_wait3A_199 = arith.constant 2 : i32
    %dma_wait3A_200 = arith.constant 0 : i32
    %dma_wait3A_201 = arith.constant 0 : i32
    %dma_wait3A_202 = tpu.memref_slice %arg6[%dma_wait3A_199, %dma_wait3A_200, %dma_wait3A_201] : memref<3x8x4096xf32, #tpu.memory_space<vmem>> -> memref<1x8x4096xf32, #tpu.memory_space<vmem>>
    %dma_wait3A_203 = tpu.memref_squeeze %dma_wait3A_202 : memref<1x8x4096xf32, #tpu.memory_space<vmem>> -> memref<8x4096xf32, #tpu.memory_space<vmem>>
    %dma_wait3A_204 = arith.constant 0 : i32
    %dma_wait3A_205 = tpu.memref_slice %arg4[%add3A_147, %dma_wait3A_204] : memref<1024x4096xf32, #tpu.memory_space<hbm>> -> memref<8x4096xf32, #tpu.memory_space<hbm>>
    %dma_wait3A_206 = arith.constant 0 : i32
    %dma_wait3A_207 = tpu.memref_slice %arg4[%add3A_147, %dma_wait3A_206] : memref<1024x4096xf32, #tpu.memory_space<hbm>> -> memref<8x4096xf32, #tpu.memory_space<hbm>>
    %dma_wait3A_208 = arith.constant 0 : i32
    %dma_wait3A_209 = arith.constant 0 : i32
    %dma_wait3A_210 = tpu.memref_slice %arg6[%dma_wait3A_199, %dma_wait3A_208, %dma_wait3A_209] : memref<3x8x4096xf32, #tpu.memory_space<vmem>> -> memref<1x8x4096xf32, #tpu.memory_space<vmem>>
    %dma_wait3A_211 = tpu.memref_squeeze %dma_wait3A_210 : memref<1x8x4096xf32, #tpu.memory_space<vmem>> -> memref<8x4096xf32, #tpu.memory_space<vmem>>
    tpu.wait_dma2 semaphore(%arg12 : memref<!tpu.dma_semaphore, #tpu.memory_space<semaphore_mem>>) src(%dma_wait3A_211 : memref<8x4096xf32, #tpu.memory_space<vmem>>) dst(%dma_wait3A_207 : memref<8x4096xf32, #tpu.memory_space<hbm>>)
    %dma_wait3A_212 = arith.constant 0 : i32
    %dma_wait3A_213 = arith.constant 0 : i32
    %dma_wait3A_214 = arith.constant 0 : i32
    %dma_wait3A_215 = tpu.memref_slice %arg6[%dma_wait3A_212, %dma_wait3A_213, %dma_wait3A_214] : memref<3x8x4096xf32, #tpu.memory_space<vmem>> -> memref<1x8x4096xf32, #tpu.memory_space<vmem>>
    %dma_wait3A_216 = tpu.memref_squeeze %dma_wait3A_215 : memref<1x8x4096xf32, #tpu.memory_space<vmem>> -> memref<8x4096xf32, #tpu.memory_space<vmem>>
    %dma_wait3A_217 = arith.constant 0 : i32
    %dma_wait3A_218 = tpu.memref_slice %arg4[%add3A_172, %dma_wait3A_217] : memref<1024x4096xf32, #tpu.memory_space<hbm>> -> memref<8x4096xf32, #tpu.memory_space<hbm>>
    %dma_wait3A_219 = arith.constant 0 : i32
    %dma_wait3A_220 = tpu.memref_slice %arg4[%add3A_172, %dma_wait3A_219] : memref<1024x4096xf32, #tpu.memory_space<hbm>> -> memref<8x4096xf32, #tpu.memory_space<hbm>>
    %dma_wait3A_221 = arith.constant 0 : i32
    %dma_wait3A_222 = arith.constant 0 : i32
    %dma_wait3A_223 = tpu.memref_slice %arg6[%dma_wait3A_212, %dma_wait3A_221, %dma_wait3A_222] : memref<3x8x4096xf32, #tpu.memory_space<vmem>> -> memref<1x8x4096xf32, #tpu.memory_space<vmem>>
    %dma_wait3A_224 = tpu.memref_squeeze %dma_wait3A_223 : memref<1x8x4096xf32, #tpu.memory_space<vmem>> -> memref<8x4096xf32, #tpu.memory_space<vmem>>
    tpu.wait_dma2 semaphore(%arg10 : memref<!tpu.dma_semaphore, #tpu.memory_space<semaphore_mem>>) src(%dma_wait3A_224 : memref<8x4096xf32, #tpu.memory_space<vmem>>) dst(%dma_wait3A_220 : memref<8x4096xf32, #tpu.memory_space<hbm>>)
    return
  }
}

</mosaic_0001>

<sc_bundles>
// kernel: _gather.3.cloned.1.call-start
scs
__scs_entry_jumppad:
0x0: {  	(pc) =	sbr.rel $0x88, $3  }
0x1: {  	(tag) =	ssettag $0x0;
	lr =	simm.s32 $0x1  }
0x2: {  	[smem:$0x3F9F] =	sst lr;
	_ =	strace $0xD0000000  }
0x3: {  	_ = 	snop  }
0x4: {  	_ = 	snop  }
0x5: {  	_ = 	snop  }
0x6: {  	_ = 	snop  }
0x7: {  	_ = 	snop  }
__scs_overlays_trampoline_lowered:
0x8: {  	[smem:$0x3FAE] =	sst s0  }
0x9: {  	[smem:$0x3FAF] =	sst s1  }
0xa: {  	[smem:$0x3FB0] =	sst s2  }
0xb: {  	[smem:$0x3FB1] =	sst s3  }
0xc: {  	[smem:$0x3FB2] =	sst s4  }
0xd: {  	[smem:$0x3FB3] =	sst s5  }
0xe: {  	[smem:$0x3FB4] =	sst s6  }
0xf: {  	[smem:$0x3FB5] =	sst s7  }
0x10: {  	[smem:$0x3FB6] =	sst s8  }
0x11: {  	[smem:$0x3FB7] =	sst s9;
	s0 =	simm.s32 @!p0 $0x0  }
0x12: {  	s1 =	sld [smem:$0x3F9D];
	s0 =	simm.s32 @p0 $0x1  }
0x13: {  	[smem:$0x3FB8] =	sst s0;
	s0 =	simm.s32 @!p1 $0x0  }
0x14: {  	s2 =	sld [smem:$0x3F9C];
	s0 =	simm.s32 @p1 $0x1  }
0x15: {  	[smem:$0x3FB9] =	sst s0;
	s0 =	simm.s32 @!p2 $0x0  }
0x16: {  	s3 =	sld [smem:$0x3FDB];
	s0 =	simm.s32 @p2 $0x1  }
0x17: {  	s4 =	simm.s32 $0x1BF5;
	[smem:$0x3FBB] =	sst s0  }
0x18: {  	s0 =	sld [smem:$0x3F9E];
	_ =	swait.ge [sflag:s4], $0x0  }
0x19: {  	s7 =	sld [smem:$0x3F9F]  }
0x1a: {  	s8 =	sadd.s32 $0xFFFFE003, lr  }
0x1b: {  	s9 =	sadd.s32 $0xFFFFFEF7, lr;
	s5 =	simm.s32 $0xFFFFFFFF;
	p2 =	slt.u32 s8, $0xFFFFF086  }
0x1c: {  	p1 =	slt.u32 s9, $0xF7A;
	s5 =	simm.s32 @!p2 $0x0  }
0x1d: {  	s5 =	simm.s32 @p1 $0x1;
	p0 =	seq.s32 s7, s2  }
0x1e: {  	s7 =	smul.u32 @!p0 $0xF7A, s2;
	p2 =	seq.s32 @!p0 s5, $0x0  }
0x1f: {  	s9 =	smul.u32 $0xF7A, s1;
	s8 =	simm.s32 @!p0 $0x1BF5;
	p2 =	por !p2, p0  }
0x20: {  	[sflag:s8] =	ssyncset.s32 @!p0 $0xFFFFF086;
	s6 =	sadd.s32 @!p0 s3, s7;
	s7 =	simm.s32 @!p0 $0x108  }
0x21: {  	s3 =	sadd.s32 s3, s9;
	s6 =	sadd.s32 @!p0 $0x88, s6;
	s7 =	simm.s32 @p2 $0x1082  }
0x22: {  	[simem:s7], [sflag:s8] =	dma.local @!p0 [hbm:s6], $0xF7A  }
0x23: {  	s9 =	sor.u32 $0xD0000000, s2;
	s6 =	simm.s32 $0x108;
	_ =	swait.ge @!p0 [sflag:s8], $0x0  }
0x24: {  	s3 =	sadd.s32 $0x88, s3;
	s6 =	simm.s32 @!p1 $0x1082;
	[sflag:s4] =	ssyncset.s32 $0xFFFFF086  }
0x25: {  	[simem:s6], [sflag:s4] =	dma.local [hbm:s3], $0xF7A  }
0x26: {  	[smem:$0x3F9F] =	sst s1;
	(tag) =	ssettag s2;
	_ =	strace s9  }
0x27: {  	s1 =	sld [smem:$0x3FAF]  }
0x28: {  	s2 =	sld [smem:$0x3FB0]  }
0x29: {  	s4 =	sld [smem:$0x3FB2]  }
0x2a: {  	p0 =	seq.s32 s5, $0x0;
	s5 =	sld [smem:$0x3FB3]  }
0x2b: {  	s6 =	sld [smem:$0x3FB4]  }
0x2c: {  	s7 =	sld [smem:$0x3FB5]  }
0x2d: {  	s3 =	simm.s32 $0x108;
	s8 =	sld [smem:$0x3FB6]  }
0x2e: {  	s3 =	simm.s32 @!p0 $0x1082;
	s9 =	sld [smem:$0x3FB7]  }
0x2f: {  	lr =	sadd.s32 s0, s3;
	s0 =	sld [smem:$0x3FAE]  }
0x30: {  	s3 =	sld [smem:$0x3FB1]  }
0x31: {  	[smem:$0x3FBA] =	sst s10  }
0x32: {  	s10 =	sld [smem:$0x3FB8];
	_ =	sdelay $0x3  }
0x33: {  	p0 =	seq.s32 s10, $0x1;
	s10 =	sld [smem:$0x3FBA];
	_ =	sdelay $0x3  }
0x34: {  	[smem:$0x3FBA] =	sst s10  }
0x35: {  	s10 =	sld [smem:$0x3FB9];
	_ =	sdelay $0x3  }
0x36: {  	p1 =	seq.s32 s10, $0x1;
	s10 =	sld [smem:$0x3FBA];
	_ =	sdelay $0x3  }
0x37: {  	[smem:$0x3FBA] =	sst s10  }
0x38: {  	s10 =	sld [smem:$0x3FBB]  }
0x39: {  	_ = 	snop;
	(pc) =	sbr.ind lr, $3  }
0x3a: {  	_ = 	snop  }
0x3b: {  	_ = 	snop  }
0x3c: {  	p2 =	seq.s32 s10, $0x1;
	s10 =	sld [smem:$0x3FBA]  }
0x3d: {  	_ =	shalt  }
0x3e: {  	_ =	shalt  }
0x3f: {  	_ =	shalt  }
0x40: {  	_ =	shalt  }
0x41: {  	_ =	shalt  }
0x42: {  	_ =	shalt  }
0x43: {  	_ =	shalt  }
0x44: {  	_ =	shalt  }
0x45: {  	_ =	shalt  }
0x46: {  	_ =	shalt  }
0x47: {  	_ =	shalt  }
0x48: {  	_ =	shalt  }
0x49: {  	_ =	shalt  }
0x4a: {  	_ =	shalt  }
0x4b: {  	_ =	shalt  }
0x4c: {  	_ =	shalt  }
0x4d: {  	_ =	shalt  }
0x4e: {  	_ =	shalt  }
0x4f: {  	_ =	shalt  }
0x50: {  	_ =	shalt  }
0x51: {  	_ =	shalt  }
0x52: {  	_ =	shalt  }
0x53: {  	_ =	shalt  }
0x54: {  	_ =	shalt  }
0x55: {  	_ =	shalt  }
0x56: {  	_ =	shalt  }
0x57: {  	_ =	shalt  }
0x58: {  	_ =	shalt  }
0x59: {  	_ =	shalt  }
0x5a: {  	_ =	shalt  }
0x5b: {  	_ =	shalt  }
0x5c: {  	_ =	shalt  }
0x5d: {  	_ =	shalt  }
0x5e: {  	_ =	shalt  }
0x5f: {  	_ =	shalt  }
0x60: {  	_ =	shalt  }
0x61: {  	_ =	shalt  }
0x62: {  	_ =	shalt  }
0x63: {  	_ =	shalt  }
0x64: {  	_ =	shalt  }
0x65: {  	_ =	shalt  }
0x66: {  	_ =	shalt  }
0x67: {  	_ =	shalt  }
0x68: {  	_ =	shalt  }
0x69: {  	_ =	shalt  }
0x6a: {  	_ =	shalt  }
0x6b: {  	_ =	shalt  }
0x6c: {  	_ =	shalt  }
0x6d: {  	_ =	shalt  }
0x6e: {  	_ =	shalt  }
0x6f: {  	_ =	shalt  }
0x70: {  	_ =	shalt  }
0x71: {  	_ =	shalt  }
0x72: {  	_ =	shalt  }
0x73: {  	_ =	shalt  }
0x74: {  	_ =	shalt  }
0x75: {  	_ =	shalt  }
0x76: {  	_ =	shalt  }
0x77: {  	_ =	shalt  }
0x78: {  	_ =	shalt  }
0x79: {  	_ =	shalt  }
0x7a: {  	_ =	shalt  }
0x7b: {  	_ =	shalt  }
0x7c: {  	_ =	shalt  }
0x7d: {  	_ =	shalt  }
0x7e: {  	_ =	shalt  }
0x7f: {  	_ =	shalt  }
0x80: {  	_ =	shalt  }
0x81: {  	_ =	shalt  }
0x82: {  	_ =	shalt  }
0x83: {  	_ =	shalt  }
0x84: {  	_ =	shalt  }
0x85: {  	_ =	shalt  }
0x86: {  	_ =	shalt  }
0x87: {  	_ =	shalt  }
.Lfunc_end0:
.L_simem_size_0:
called_computation_lowered:
.L_overlay_start_0:
0x88: {  	s2 =	sld [smem:$0x3FD9]  }
0x89: {  	s3 =	sld [smem:$0x3FFE];
	_ =	sdelay $0x1  }
0x8a: {  	s1 =	srdreg.scid  }
0x8b: {  	s0 =	sand.u32 $0x1, s1  }
0x8c: {  	s18 =	sshll.u32 s0, $0xA;
	s2 =	sadd.s32 s3, s2  }
0x8d: {  	s2 =	sadd.s32 s2, s18  }
0x8e: {  	[smem:$0x3FC6] =	sst s2  }
0x8f: {  	_ = 	snop  }
0x90: {  	s2 =	sld [smem:$0x3FC9]  }
0x91: {  	s19 =	sld [smem:$0x3FC8]  }
0x92: {  	s4 =	sld [smem:$0x3FD0];
	(tm) =	ssettm $0x1  }
0x93: {  	s5 =	sld [smem:$0x3FFB];
	_ =	sdelay $0x3  }
0x94: {  	_ =	strace s5  }
0x95: {  	s5 =	sld [smem:$0x3FFC];
	_ =	sdelay $0x3  }
0x96: {  	_ =	strace s5  }
0x97: {  	s5 =	sld [smem:$0x3FFD];
	_ =	sdelay $0x3  }
0x98: {  	_ =	strace s5  }
0x99: {  	_ =	strace $0x8FFFFFFF  }
0x9a: {  	s20 =	sld [smem:$0x3FDB];
	_ =	sdelay $0x1  }
0x9b: {  	s6 =	simm.s32 $_scs_section_size  }
0x9c: {  	s7 =	simm.s32 $_size__tile_overlayer_lowered;
	s8 =	simm.s32 $_tile_overlayer_lowered  }
0x9d: {  	s23 =	simm.s32 $0x1BFF;
	s22 =	sshll.u32 s8, $0x1;
	s5 =	sadd.s32 s6, s20  }
0x9e: {  	s9 =	simm.s32 $0x0;
	s21 =	sshll.u32 s7, $0x1;
	s7 =	sadd.s32 s22, s5  }
0x9f: {  	[timem:s9], [sflag:s23] =	dma.local [hbm:s7], s21  }
0xa0: {  	_ =	swait.ge [sflag:s23], s21  }
0xa1: {  	s6 =	ssub.s32 $0x0, s21;
	[sflag:s23] =	ssyncset.done $0x0  }
0xa2: {  	[sflag:s23] =	ssyncadd.s32 s6;
	_ =	sdelay $0x1  }
0xa3: {  	s24 =	simm.s32 $0x1B8B  }
0xa4: {  	_ =	swait.ge [sflag:s24], $0x1  }
0xa5: {  	[sflag:s24] =	ssyncset.done $0x0  }
0xa6: {  	s25 =	simm.s32 $0x1B8E;
	[sflag:s24] =	ssyncadd.s32 $0xFFFFFFFF  }
0xa7: {  	s26 =	simm.s32 $execute0_lowered;
	[smem:$0x3FD2] =	sst s25  }
0xa8: {  	s6 =	sshll.u32 s26, $0x1;
	_ =	strace $0x80000046;
	[dreg:$0x1] =	wrdreg $0xFFFFFFFF  }
0xa9: {  	s28 =	simm.s32 $_size_execute0_lowered;
	s5 =	sadd.s32 s5, s6;
	[dreg:$0x0] =	wrdreg $0x0  }
0xaa: {  	s6 =	sshll.u32 s28, $0x1;
	[dreg:$0x2] =	wrdreg s5  }
0xab: {  	[dreg:$0x3] =	wrdreg s6  }
0xac: {  	[dreg:$0x4] =	wrdreg $0xC0  }
0xad: {  	_ =	task [dreg:s9], $0x5FFFF  }
0xae: {  	[dreg:$0x1] =	wrdreg $0xFFFFFFFF  }
0xaf: {  	[dreg:$0x0] =	wrdreg $0x60  }
0xb0: {  	[dreg:$0x2] =	wrdreg s19  }
0xb1: {  	[dreg:$0x3] =	wrdreg s2  }
0xb2: {  	[dreg:$0x4] =	wrdreg s4  }
0xb3: {  	[dreg:$0x5] =	wrdreg $0x9  }
0xb4: {  	_ =	task.clear_ibuf [dreg:s9], $0x6FFFF;
	_ =	strace $0x90000046  }
0xb5: {  	s29 =	simm.s32 $0x9;
	_ =	strace $0x80000048  }
0xb6: {  	_ =	swait.ge [sflag:s29], $0x1  }
0xb7: {  	[sflag:s29] =	ssyncadd.s32 $0xFFFFFFFF  }
0xb8: {  	_ =	strace $0x90000048  }
0xb9: {  	_ =	sfence  }
0xba: {  	s30 =	sld [smem:$0x0];
	_ =	sdelay $0x2  }
0xbb: {  	s31 =	sshll.u32 s1, $0xD;
	s1 =	sshrl.u32 s1, $0x2  }
0xbc: {  	s3 =	sand.u32 $0x4000, s31;
	s1 =	sadd.s32 s1, s30  }
0xbd: {  	s0 =	sor.u32 s3, s0;
	s1 =	sshll.u32 s1, $0x11  }
0xbe: {  	s0 =	sor.u32 s1, s0  }
0xbf: {  	s0 =	sadd.s32 $0x8F2B, s0  }
0xc0: {  	[sflag:s0] =	ssyncadd.remote.s32 $0x1  }
0xc1: {  	_ =	sfence.sel $0xFFFF  }
0xc2: {  	[dreg:$0x0] =	wrdreg $0xFFFFFFFF;
	(pc) =	sbr.abs _section_cstart, $3  }
0xc3: {  	[dreg:$0x1] =	wrdreg $0xFFFFFFFF  }
0xc4: {  	_ =	task.clear_ibuf [dreg:s9], $0x2FFFF;
	_ =	strace $0x9FFFFFFF  }
0xc5: {  	(tm) =	ssettm $0x7FFFFFFF  }
tec
execute0_lowered:
.L_overlay_start_1:
0x0: {  	(tag) =	ssettag $0x1  }
0x1: {  	s1 =	rddreg [dreg:$0x0]  }
0x2: {  	s0 =	rddreg [dreg:$0x1]  }
0x3: {  	s2 =	rddreg [dreg:$0x2];
	s3 =	simm.s32 $0x0  }
0x4: {  	s4 =	srdreg.scid;
	s19 =	simm.s32 $0x8880;
	[smem:$0x7FF] =	sst s3  }
0x5: {  	s20 =	simm.s32 $0x9080;
	_ =	strace $0x80000047;
	[dreg:$0x8] =	wrdreg s19  }
0x6: {  	s7 =	stileid.u32;
	s21 =	simm.s32 $0x9880;
	[dreg:$0x9] =	wrdreg s20  }
0x7: {  	s22 =	simm.s32 $0xA080;
	s23 =	simm.s32 $0xA880;
	[dreg:$0xa] =	wrdreg s21  }
0x8: {  	s24 =	simm.s32 $0xB080;
	s25 =	simm.s32 $0xB880;
	[dreg:$0xb] =	wrdreg s22  }
0x9: {  	s26 =	simm.s32 $0xC080;
	s8 =	simm.s32 $0xE080;
	[dreg:$0xc] =	wrdreg s23  }
0xa: {  	s9 =	simm.s32 $0xE880;
	s10 =	simm.s32 $0xF080;
	[dreg:$0xd] =	wrdreg s24  }
0xb: {  	s11 =	simm.s32 $0xF880;
	s12 =	simm.s32 $0x10880;
	[dreg:$0xe] =	wrdreg s25  }
0xc: {  	s13 =	simm.s32 $0x11080;
	s14 =	simm.s32 $0x11880;
	[dreg:$0xf] =	wrdreg s26  }
0xd: {  	s30 =	simm.s32 $0x1;
	s31 =	simm.s32 $0x4;
	[dreg:$0x13] =	wrdreg s8  }
0xe: {  	s28 =	simm.s32 $0x1080;
	s29 =	simm.s32 $0x1880;
	[dreg:$0x14] =	wrdreg s9  }
0xf: {  	s4 =	sand.u32 $0x1, s4;
	s5 =	sshll.u32 s7, $0x1;
	[dreg:$0x15] =	wrdreg s10  }
0x10: {  	s6 =	sshll.u32 s7, $0x5;
	s7 =	sshll.u32 s7, $0x2;
	[dreg:$0x16] =	wrdreg s11  }
0x11: {  	s5 =	sor.u32 s4, s5;
	s6 =	sand.u32 $0x40, s6;
	[dreg:$0x17] =	wrdreg s12  }
0x12: {  	s7 =	sand.u32 $0x30, s7;
	s8 =	sadd.s32 $0x400, s1;
	[dreg:$0x18] =	wrdreg s13  }
0x13: {  	s9 =	sadd.s32 $0x500, s1;
	[dreg:$0x19] =	wrdreg s14;
	s19 =	simm.s32 $0x14080  }
0x14: {  	s10 =	sadd.s32 $0x600, s1;
	s20 =	simm.s32 $0x14880;
	[dreg:$0x1e] =	wrdreg s19  }
0x15: {  	s11 =	sadd.s32 $0x700, s1;
	s21 =	simm.s32 $0x15080;
	[dreg:$0x1f] =	wrdreg s20  }
0x16: {  	s12 =	sadd.s32 $0x800, s1;
	s22 =	simm.s32 $0x15880;
	[smem:$0x7F8] =	sst s21  }
0x17: {  	s13 =	sadd.s32 $0x900, s1;
	s23 =	simm.s32 $0x16080;
	[smem:$0x7F9] =	sst s22  }
0x18: {  	s14 =	sadd.s32 $0xA00, s1;
	s24 =	simm.s32 $0x16880;
	[smem:$0x7FA] =	sst s23  }
0x19: {  	s25 =	simm.s32 $0x17080;
	s26 =	simm.s32 $0x17880;
	[smem:$0x7FB] =	sst s24  }
0x1a: {  	s6 =	sor.u32 s7, s6;
	s15 =	sshll.u32 s5, $0x2;
	[smem:$0x7FC] =	sst s25  }
0x1b: {  	s5 =	sshll.u32 s5, $0xE;
	s19 =	sadd.s32 $0xF00, s1;
	[smem:$0x7FD] =	sst s26  }
0x1c: {  	s26 =	simm.s32 $0x880;
	s23 =	simm.s32 $0x4080;
	s2 =	sadd.s32 s2, s5  }
0x1d: {  	s0 =	sadd.s32 s0, s6;
	s6 =	simm.s32 $0xD080;
	[smem:$0x7F7] =	sst s2  }
0x1e: {  	s7 =	sand.u32 $0xC, s15;
	s15 =	simm.s32 $0x12080;
	[dreg:$0x11] =	wrdreg s6  }
0x1f: {  	s22 =	simm.s32 $0x4880;
	s0 =	sadd.s32 s7, s0;
	[dreg:$0x1a] =	wrdreg s15  }
0x20: {  	s5 =	ssub.s32 $0x2, s4;
	s16 =	sadd.s32 $0x1000, s2;
	[dreg:$0x4] =	wrdreg s0  }
0x21: {  	s17 =	sadd.s32 $0x2000, s2;
	s18 =	sadd.s32 $0x3000, s2;
	[dreg:$0x5] =	wrdreg s16  }
0x22: {  	s2 =	simm.s32 $0xC880;
	s4 =	sshrl.u32 s5, $0x1;
	[dreg:$0x6] =	wrdreg s17  }
0x23: {  	s7 =	simm.s32 $0xD880;
	s6 =	sadd.s32 $0x200, s1;
	[dreg:$0x7] =	wrdreg s18  }
0x24: {  	s15 =	sadd.s32 $0xB00, s1;
	[dreg:$0x10] =	wrdreg s2;
	s2 =	ssub.s32 s5, s4  }
0x25: {  	[dreg:$0x12] =	wrdreg s7;
	s4 =	sadd.s32 $0x100, s1;
	s16 =	simm.s32 $0x12880  }
0x26: {  	s7 =	sadd.s32 $0x300, s1;
	s17 =	simm.s32 $0x13080;
	[dreg:$0x1b] =	wrdreg s16  }
0x27: {  	v0 =	vlaneseq.u32;
	s18 =	simm.s32 $0x13880;
	s5 =	simm.s32 $0x10080;
	[dreg:$0x1c] =	wrdreg s17  }
0x28: {  	v1 =	vshrl.u32 v0, $0x3;
	[dreg:$0x1d] =	wrdreg s18;
	s16 =	sadd.s32 $0xC00, s1;
	s17 =	sadd.s32 $0xD00, s1  }
0x29: {  	vm0 =	vmmov $0xffff;
	v0 =	vand.u32 $0x7, v0;
	v1 =	vmul.u32 $0x8, v1;
	s18 =	sadd.s32 $0xE00, s1;
	s20 =	smax.u32 s2, $0x1;
	s1 =	simm.s32 $0x80  }
.LBB2_1:
0x2a: {  	s24 =	rddreg [dreg:$0x4];
	s21 =	simm.s32 $0x7  }
0x2b: {  	[tilespmem:s3], [sflag:$0x7] =	stream.linear.gather [hbm4b:s24+s3], $0x20, $0x38;
	[tilespmem:$0x18080] =	vst v63  }
0x2c: {  	_ =	swait.ge [sflag:s21], $0x20  }
0x2d: {  	[sflag:s21] =	ssyncset.done $0x0  }
0x2e: {  	[sflag:s21] =	ssyncadd.s32 $0xFFFFFFE0  }
0x2f: {  	v2 =	vld.msk [tilespmem:$0x0], $0xff;
	_ =	sdelay $0x4  }
0x30: {  	v3 =	vshll.u32 v2, $0x5  }
0x31: {  	v2 =	vand.u32 $0x7, v2;
	v3 =	vand.u32 $0xFFFFFF00, v3  }
0x32: {  	v2 =	vor.u32 v2, v3  }
0x33: {  	v2 =	vperm.xlane v2, v0;
	_ =	sdelay $0x1  }
0x34: {  	v2 =	vadd.s32 v1, v2;
	_ =	sdelay $0x3  }
0x35: {  	s0 =	rddreg [dreg:$0x0]  }
0x36: {  	[tilespmem:s1], [sflag:$0x1] =	stream.indirect_vreg.gather [hbm4b:s0+s3], $0x80, v2, vm0, $0xb8;
	[tilespmem:$0x18080] =	vst v63  }
0x37: {  	_ = 	snop  }
0x38: {  	[tilespmem:s26], [sflag:$0x1] =	stream.indirect_vreg.gather [hbm4b:s4+s3], $0x80, v2, vm0, $0xb8;
	[tilespmem:$0x18080] =	vst v63  }
0x39: {  	_ = 	snop  }
0x3a: {  	[tilespmem:s28], [sflag:$0x1] =	stream.indirect_vreg.gather [hbm4b:s6+s3], $0x80, v2, vm0, $0xb8;
	[tilespmem:$0x18080] =	vst v63  }
0x3b: {  	_ = 	snop  }
0x3c: {  	[tilespmem:s29], [sflag:$0x1] =	stream.indirect_vreg.gather [hbm4b:s7+s3], $0x80, v2, vm0, $0xb8;
	[tilespmem:$0x18080] =	vst v63  }
0x3d: {  	s21 =	simm.s32 $0x2080  }
0x3e: {  	[tilespmem:s21], [sflag:$0x1] =	stream.indirect_vreg.gather [hbm4b:s8+s3], $0x80, v2, vm0, $0xb8;
	[tilespmem:$0x18080] =	vst v63  }
0x3f: {  	s2 =	simm.s32 $0x2880  }
0x40: {  	[tilespmem:s2], [sflag:$0x1] =	stream.indirect_vreg.gather [hbm4b:s9+s3], $0x80, v2, vm0, $0xb8;
	[tilespmem:$0x18080] =	vst v63  }
0x41: {  	s25 =	simm.s32 $0x3080  }
0x42: {  	[tilespmem:s25], [sflag:$0x1] =	stream.indirect_vreg.gather [hbm4b:s10+s3], $0x80, v2, vm0, $0xb8;
	[tilespmem:$0x18080] =	vst v63  }
0x43: {  	s24 =	simm.s32 $0x3880  }
0x44: {  	[tilespmem:s24], [sflag:$0x1] =	stream.indirect_vreg.gather [hbm4b:s11+s3], $0x80, v2, vm0, $0xb8;
	[tilespmem:$0x18080] =	vst v63  }
0x45: {  	_ = 	snop  }
0x46: {  	[tilespmem:s23], [sflag:$0x1] =	stream.indirect_vreg.gather [hbm4b:s12+s3], $0x80, v2, vm0, $0xb8;
	[tilespmem:$0x18080] =	vst v63  }
0x47: {  	_ = 	snop  }
0x48: {  	[tilespmem:s22], [sflag:$0x1] =	stream.indirect_vreg.gather [hbm4b:s13+s3], $0x80, v2, vm0, $0xb8;
	[tilespmem:$0x18080] =	vst v63  }
0x49: {  	s25 =	simm.s32 $0x5080  }
0x4a: {  	[tilespmem:s25], [sflag:$0x1] =	stream.indirect_vreg.gather [hbm4b:s14+s3], $0x80, v2, vm0, $0xb8;
	[tilespmem:$0x18080] =	vst v63  }
0x4b: {  	s24 =	simm.s32 $0x5880  }
0x4c: {  	[tilespmem:s24], [sflag:$0x1] =	stream.indirect_vreg.gather [hbm4b:s15+s3], $0x80, v2, vm0, $0xb8;
	[tilespmem:$0x18080] =	vst v63  }
0x4d: {  	s25 =	simm.s32 $0x6080  }
0x4e: {  	[tilespmem:s25], [sflag:$0x1] =	stream.indirect_vreg.gather [hbm4b:s16+s3], $0x80, v2, vm0, $0xb8;
	[tilespmem:$0x18080] =	vst v63  }
0x4f: {  	s24 =	simm.s32 $0x6880  }
0x50: {  	[tilespmem:s24], [sflag:$0x1] =	stream.indirect_vreg.gather [hbm4b:s17+s3], $0x80, v2, vm0, $0xb8;
	[tilespmem:$0x18080] =	vst v63  }
0x51: {  	s25 =	simm.s32 $0x7080  }
0x52: {  	[tilespmem:s25], [sflag:$0x1] =	stream.indirect_vreg.gather [hbm4b:s18+s3], $0x80, v2, vm0, $0xb8;
	[tilespmem:$0x18080] =	vst v63  }
0x53: {  	s24 =	simm.s32 $0x7880  }
0x54: {  	[tilespmem:s24], [sflag:$0x1] =	stream.indirect_vreg.gather [hbm4b:s19+s3], $0x80, v2, vm0, $0xb8;
	[tilespmem:$0x18080] =	vst v63  }
0x55: {  	v2 =	vld.msk [tilespmem:$0x8], $0xff;
	_ =	sdelay $0x4  }
0x56: {  	v3 =	vshll.u32 v2, $0x5  }
0x57: {  	v2 =	vand.u32 $0x7, v2;
	v3 =	vand.u32 $0xFFFFFF00, v3  }
0x58: {  	v2 =	vor.u32 v2, v3  }
0x59: {  	v2 =	vperm.xlane v2, v0;
	_ =	sdelay $0x1  }
0x5a: {  	v2 =	vadd.s32 v1, v2;
	_ =	sdelay $0x3  }
0x5b: {  	s2 =	simm.s32 $0x8080  }
0x5c: {  	[tilespmem:s2], [sflag:$0x2] =	stream.indirect_vreg.gather [hbm4b:s0+s3], $0x80, v2, vm0, $0xb8;
	[tilespmem:$0x18080] =	vst v63  }
0x5d: {  	s24 =	rddreg [dreg:$0x8]  }
0x5e: {  	[tilespmem:s24], [sflag:$0x2] =	stream.indirect_vreg.gather [hbm4b:s4+s3], $0x80, v2, vm0, $0xb8;
	[tilespmem:$0x18080] =	vst v63  }
0x5f: {  	s25 =	rddreg [dreg:$0x9]  }
0x60: {  	[tilespmem:s25], [sflag:$0x2] =	stream.indirect_vreg.gather [hbm4b:s6+s3], $0x80, v2, vm0, $0xb8;
	[tilespmem:$0x18080] =	vst v63  }
0x61: {  	s24 =	rddreg [dreg:$0xa]  }
0x62: {  	[tilespmem:s24], [sflag:$0x2] =	stream.indirect_vreg.gather [hbm4b:s7+s3], $0x80, v2, vm0, $0xb8;
	[tilespmem:$0x18080] =	vst v63  }
0x63: {  	s25 =	rddreg [dreg:$0xb]  }
0x64: {  	[tilespmem:s25], [sflag:$0x2] =	stream.indirect_vreg.gather [hbm4b:s8+s3], $0x80, v2, vm0, $0xb8;
	[tilespmem:$0x18080] =	vst v63  }
0x65: {  	s24 =	rddreg [dreg:$0xc]  }
0x66: {  	[tilespmem:s24], [sflag:$0x2] =	stream.indirect_vreg.gather [hbm4b:s9+s3], $0x80, v2, vm0, $0xb8;
	[tilespmem:$0x18080] =	vst v63  }
0x67: {  	s25 =	rddreg [dreg:$0xd]  }
0x68: {  	[tilespmem:s25], [sflag:$0x2] =	stream.indirect_vreg.gather [hbm4b:s10+s3], $0x80, v2, vm0, $0xb8;
	[tilespmem:$0x18080] =	vst v63  }
0x69: {  	s24 =	rddreg [dreg:$0xe]  }
0x6a: {  	[tilespmem:s24], [sflag:$0x2] =	stream.indirect_vreg.gather [hbm4b:s11+s3], $0x80, v2, vm0, $0xb8;
	[tilespmem:$0x18080] =	vst v63  }
0x6b: {  	s25 =	rddreg [dreg:$0xf]  }
0x6c: {  	[tilespmem:s25], [sflag:$0x2] =	stream.indirect_vreg.gather [hbm4b:s12+s3], $0x80, v2, vm0, $0xb8;
	[tilespmem:$0x18080] =	vst v63  }
0x6d: {  	s24 =	rddreg [dreg:$0x10]  }
0x6e: {  	[tilespmem:s24], [sflag:$0x2] =	stream.indirect_vreg.gather [hbm4b:s13+s3], $0x80, v2, vm0, $0xb8;
	[tilespmem:$0x18080] =	vst v63  }
0x6f: {  	s25 =	rddreg [dreg:$0x11]  }
0x70: {  	[tilespmem:s25], [sflag:$0x2] =	stream.indirect_vreg.gather [hbm4b:s14+s3], $0x80, v2, vm0, $0xb8;
	[tilespmem:$0x18080] =	vst v63  }
0x71: {  	s24 =	rddreg [dreg:$0x12]  }
0x72: {  	[tilespmem:s24], [sflag:$0x2] =	stream.indirect_vreg.gather [hbm4b:s15+s3], $0x80, v2, vm0, $0xb8;
	[tilespmem:$0x18080] =	vst v63  }
0x73: {  	s25 =	rddreg [dreg:$0x13]  }
0x74: {  	[tilespmem:s25], [sflag:$0x2] =	stream.indirect_vreg.gather [hbm4b:s16+s3], $0x80, v2, vm0, $0xb8;
	[tilespmem:$0x18080] =	vst v63  }
0x75: {  	s24 =	rddreg [dreg:$0x14]  }
0x76: {  	[tilespmem:s24], [sflag:$0x2] =	stream.indirect_vreg.gather [hbm4b:s17+s3], $0x80, v2, vm0, $0xb8;
	[tilespmem:$0x18080] =	vst v63  }
0x77: {  	s25 =	rddreg [dreg:$0x15]  }
0x78: {  	[tilespmem:s25], [sflag:$0x2] =	stream.indirect_vreg.gather [hbm4b:s18+s3], $0x80, v2, vm0, $0xb8;
	[tilespmem:$0x18080] =	vst v63  }
0x79: {  	s24 =	rddreg [dreg:$0x16]  }
0x7a: {  	[tilespmem:s24], [sflag:$0x2] =	stream.indirect_vreg.gather [hbm4b:s19+s3], $0x80, v2, vm0, $0xb8;
	[tilespmem:$0x18080] =	vst v63  }
0x7b: {  	v2 =	vld.msk [tilespmem:$0x10], $0xff;
	_ =	sdelay $0x4  }
0x7c: {  	v3 =	vshll.u32 v2, $0x5  }
0x7d: {  	v2 =	vand.u32 $0x7, v2;
	v3 =	vand.u32 $0xFFFFFF00, v3  }
0x7e: {  	v2 =	vor.u32 v2, v3  }
0x7f: {  	v2 =	vperm.xlane v2, v0;
	_ =	sdelay $0x1  }
0x80: {  	v2 =	vadd.s32 v1, v2;
	_ =	sdelay $0x3  }
0x81: {  	s25 =	rddreg [dreg:$0x18]  }
0x82: {  	[tilespmem:s5], [sflag:$0x3] =	stream.indirect_vreg.gather [hbm4b:s0+s3], $0x80, v2, vm0, $0xb8;
	[tilespmem:$0x18080] =	vst v63  }
0x83: {  	s24 =	rddreg [dreg:$0x17]  }
0x84: {  	[tilespmem:s24], [sflag:$0x3] =	stream.indirect_vreg.gather [hbm4b:s4+s3], $0x80, v2, vm0, $0xb8;
	[tilespmem:$0x18080] =	vst v63  }
0x85: {  	s24 =	rddreg [dreg:$0x19]  }
0x86: {  	[tilespmem:s25], [sflag:$0x3] =	stream.indirect_vreg.gather [hbm4b:s6+s3], $0x80, v2, vm0, $0xb8;
	[tilespmem:$0x18080] =	vst v63  }
0x87: {  	s25 =	rddreg [dreg:$0x1a]  }
0x88: {  	[tilespmem:s24], [sflag:$0x3] =	stream.indirect_vreg.gather [hbm4b:s7+s3], $0x80, v2, vm0, $0xb8;
	[tilespmem:$0x18080] =	vst v63  }
0x89: {  	s24 =	rddreg [dreg:$0x1b]  }
0x8a: {  	[tilespmem:s25], [sflag:$0x3] =	stream.indirect_vreg.gather [hbm4b:s8+s3], $0x80, v2, vm0, $0xb8;
	[tilespmem:$0x18080] =	vst v63  }
0x8b: {  	s25 =	rddreg [dreg:$0x1c]  }
0x8c: {  	[tilespmem:s24], [sflag:$0x3] =	stream.indirect_vreg.gather [hbm4b:s9+s3], $0x80, v2, vm0, $0xb8;
	[tilespmem:$0x18080] =	vst v63  }
0x8d: {  	s24 =	rddreg [dreg:$0x1d]  }
0x8e: {  	[tilespmem:s25], [sflag:$0x3] =	stream.indirect_vreg.gather [hbm4b:s10+s3], $0x80, v2, vm0, $0xb8;
	[tilespmem:$0x18080] =	vst v63  }
0x8f: {  	s25 =	rddreg [dreg:$0x1e]  }
0x90: {  	[tilespmem:s24], [sflag:$0x3] =	stream.indirect_vreg.gather [hbm4b:s11+s3], $0x80, v2, vm0, $0xb8;
	[tilespmem:$0x18080] =	vst v63  }
0x91: {  	s24 =	rddreg [dreg:$0x1f]  }
0x92: {  	[tilespmem:s25], [sflag:$0x3] =	stream.indirect_vreg.gather [hbm4b:s12+s3], $0x80, v2, vm0, $0xb8;
	[tilespmem:$0x18080] =	vst v63  }
0x93: {  	s25 =	sld [smem:$0x7F8]  }
0x94: {  	[tilespmem:s24], [sflag:$0x3] =	stream.indirect_vreg.gather [hbm4b:s13+s3], $0x80, v2, vm0, $0xb8;
	[tilespmem:$0x18080] =	vst v63  }
0x95: {  	s24 =	sld [smem:$0x7F9]  }
0x96: {  	[tilespmem:s25], [sflag:$0x3] =	stream.indirect_vreg.gather [hbm4b:s14+s3], $0x80, v2, vm0, $0xb8;
	[tilespmem:$0x18080] =	vst v63  }
0x97: {  	s25 =	sld [smem:$0x7FA]  }
0x98: {  	[tilespmem:s24], [sflag:$0x3] =	stream.indirect_vreg.gather [hbm4b:s15+s3], $0x80, v2, vm0, $0xb8;
	[tilespmem:$0x18080] =	vst v63  }
0x99: {  	s24 =	sld [smem:$0x7FB]  }
0x9a: {  	[tilespmem:s25], [sflag:$0x3] =	stream.indirect_vreg.gather [hbm4b:s16+s3], $0x80, v2, vm0, $0xb8;
	[tilespmem:$0x18080] =	vst v63  }
0x9b: {  	s25 =	sld [smem:$0x7FC]  }
0x9c: {  	[tilespmem:s24], [sflag:$0x3] =	stream.indirect_vreg.gather [hbm4b:s17+s3], $0x80, v2, vm0, $0xb8;
	[tilespmem:$0x18080] =	vst v63  }
0x9d: {  	s24 =	sld [smem:$0x7FD]  }
0x9e: {  	[tilespmem:s25], [sflag:$0x3] =	stream.indirect_vreg.gather [hbm4b:s18+s3], $0x80, v2, vm0, $0xb8;
	[tilespmem:$0x18080] =	vst v63  }
0x9f: {  	_ = 	snop  }
0xa0: {  	[tilespmem:s24], [sflag:$0x3] =	stream.indirect_vreg.gather [hbm4b:s19+s3], $0x80, v2, vm0, $0xb8;
	[tilespmem:$0x18080] =	vst v63  }
0xa1: {  	_ =	swait.ge [sflag:s30], $0x8000  }
0xa2: {  	s25 =	sld [smem:$0x7F7]  }
0xa3: {  	[sflag:s30] =	ssyncset.done $0x0  }
0xa4: {  	[sflag:s30] =	ssyncadd.s32 $0xFFFF8000  }
0xa5: {  	[hbm4b:s25+s3] =	stream.linear.scatter [tilespmem:s1], [sflag:$0x4], $0x8000, $0x38;
	[tilespmem:$0x18080] =	vst v63  }
0xa6: {  	_ =	swait.ge [sflag:s31], $0x8000  }
0xa7: {  	[sflag:s31] =	ssyncset.done $0x0  }
0xa8: {  	[sflag:s31] =	ssyncadd.s32 $0xFFFF8000  }
0xa9: {  	v2 =	vld.msk [tilespmem:$0x18], $0xff;
	_ =	sdelay $0x4  }
0xaa: {  	v3 =	vshll.u32 v2, $0x5  }
0xab: {  	v2 =	vand.u32 $0x7, v2;
	v3 =	vand.u32 $0xFFFFFF00, v3  }
0xac: {  	v2 =	vor.u32 v2, v3  }
0xad: {  	v2 =	vperm.xlane v2, v0;
	_ =	sdelay $0x1  }
0xae: {  	v2 =	vadd.s32 v1, v2;
	_ =	sdelay $0x4  }
0xaf: {  	[tilespmem:s1], [sflag:$0x1] =	stream.indirect_vreg.gather [hbm4b:s0+s3], $0x80, v2, vm0, $0xb8;
	[tilespmem:$0x18080] =	vst v63  }
0xb0: {  	_ = 	snop  }
0xb1: {  	[tilespmem:s26], [sflag:$0x1] =	stream.indirect_vreg.gather [hbm4b:s4+s3], $0x80, v2, vm0, $0xb8;
	[tilespmem:$0x18080] =	vst v63  }
0xb2: {  	_ = 	snop  }
0xb3: {  	[tilespmem:s28], [sflag:$0x1] =	stream.indirect_vreg.gather [hbm4b:s6+s3], $0x80, v2, vm0, $0xb8;
	[tilespmem:$0x18080] =	vst v63  }
0xb4: {  	_ = 	snop  }
0xb5: {  	[tilespmem:s29], [sflag:$0x1] =	stream.indirect_vreg.gather [hbm4b:s7+s3], $0x80, v2, vm0, $0xb8;
	[tilespmem:$0x18080] =	vst v63  }
0xb6: {  	_ = 	snop  }
0xb7: {  	[tilespmem:s21], [sflag:$0x1] =	stream.indirect_vreg.gather [hbm4b:s8+s3], $0x80, v2, vm0, $0xb8;
	[tilespmem:$0x18080] =	vst v63  }
0xb8: {  	s25 =	simm.s32 $0x2880  }
0xb9: {  	[tilespmem:s25], [sflag:$0x1] =	stream.indirect_vreg.gather [hbm4b:s9+s3], $0x80, v2, vm0, $0xb8;
	[tilespmem:$0x18080] =	vst v63  }
0xba: {  	s21 =	simm.s32 $0x3080  }
0xbb: {  	[tilespmem:s21], [sflag:$0x1] =	stream.indirect_vreg.gather [hbm4b:s10+s3], $0x80, v2, vm0, $0xb8;
	[tilespmem:$0x18080] =	vst v63  }
0xbc: {  	s24 =	simm.s32 $0x3880  }
0xbd: {  	[tilespmem:s24], [sflag:$0x1] =	stream.indirect_vreg.gather [hbm4b:s11+s3], $0x80, v2, vm0, $0xb8;
	[tilespmem:$0x18080] =	vst v63  }
0xbe: {  	_ = 	snop  }
0xbf: {  	[tilespmem:s23], [sflag:$0x1] =	stream.indirect_vreg.gather [hbm4b:s12+s3], $0x80, v2, vm0, $0xb8;
	[tilespmem:$0x18080] =	vst v63  }
0xc0: {  	_ = 	snop  }
0xc1: {  	[tilespmem:s22], [sflag:$0x1] =	stream.indirect_vreg.gather [hbm4b:s13+s3], $0x80, v2, vm0, $0xb8;
	[tilespmem:$0x18080] =	vst v63  }
0xc2: {  	s25 =	simm.s32 $0x5080  }
0xc3: {  	[tilespmem:s25], [sflag:$0x1] =	stream.indirect_vreg.gather [hbm4b:s14+s3], $0x80, v2, vm0, $0xb8;
	[tilespmem:$0x18080] =	vst v63  }
0xc4: {  	s21 =	simm.s32 $0x5880  }
0xc5: {  	[tilespmem:s21], [sflag:$0x1] =	stream.indirect_vreg.gather [hbm4b:s15+s3], $0x80, v2, vm0, $0xb8;
	[tilespmem:$0x18080] =	vst v63  }
0xc6: {  	s24 =	simm.s32 $0x6080  }
0xc7: {  	[tilespmem:s24], [sflag:$0x1] =	stream.indirect_vreg.gather [hbm4b:s16+s3], $0x80, v2, vm0, $0xb8;
	[tilespmem:$0x18080] =	vst v63  }
0xc8: {  	s25 =	simm.s32 $0x6880  }
0xc9: {  	[tilespmem:s25], [sflag:$0x1] =	stream.indirect_vreg.gather [hbm4b:s17+s3], $0x80, v2, vm0, $0xb8;
	[tilespmem:$0x18080] =	vst v63  }
0xca: {  	s21 =	simm.s32 $0x7080  }
0xcb: {  	[tilespmem:s21], [sflag:$0x1] =	stream.indirect_vreg.gather [hbm4b:s18+s3], $0x80, v2, vm0, $0xb8;
	[tilespmem:$0x18080] =	vst v63  }
0xcc: {  	s24 =	simm.s32 $0x7880;
	s25 =	simm.s32 $0x2  }
0xcd: {  	[tilespmem:s24], [sflag:$0x1] =	stream.indirect_vreg.gather [hbm4b:s19+s3], $0x80, v2, vm0, $0xb8;
	[tilespmem:$0x18080] =	vst v63  }
0xce: {  	_ =	swait.ge [sflag:s25], $0x8000  }
0xcf: {  	[sflag:s25] =	ssyncset.done $0x0  }
0xd0: {  	s21 =	rddreg [dreg:$0x5];
	[sflag:s25] =	ssyncadd.s32 $0xFFFF8000;
	s25 =	simm.s32 $0x3  }
0xd1: {  	[hbm4b:s21+s3] =	stream.linear.scatter [tilespmem:s2], [sflag:$0x5], $0x8000, $0x38;
	[tilespmem:$0x18080] =	vst v63  }
0xd2: {  	_ =	swait.ge [sflag:s25], $0x8000  }
0xd3: {  	[sflag:s25] =	ssyncset.done $0x0  }
0xd4: {  	s2 =	rddreg [dreg:$0x6];
	[sflag:s25] =	ssyncadd.s32 $0xFFFF8000  }
0xd5: {  	[hbm4b:s2+s3] =	stream.linear.scatter [tilespmem:s5], [sflag:$0x6], $0x8000, $0x38;
	[tilespmem:$0x18080] =	vst v63  }
0xd6: {  	_ =	swait.ge [sflag:s30], $0x8000  }
0xd7: {  	[sflag:s30] =	ssyncset.done $0x0  }
0xd8: {  	s24 =	simm.s32 $0x5;
	s21 =	rddreg [dreg:$0x7];
	[sflag:s30] =	ssyncadd.s32 $0xFFFF8000  }
0xd9: {  	[hbm4b:s21+s3] =	stream.linear.scatter [tilespmem:s1], [sflag:$0x4], $0x8000, $0x38;
	[tilespmem:$0x18080] =	vst v63  }
0xda: {  	_ =	swait.ge [sflag:s24], $0x8000  }
0xdb: {  	[sflag:s24] =	ssyncset.done $0x0  }
0xdc: {  	s25 =	simm.s32 $0x6;
	[sflag:s24] =	ssyncadd.s32 $0xFFFF8000  }
0xdd: {  	p0 =	sne.s32 s20, $0x1;
	_ =	swait.ge [sflag:s25], $0x8000  }
.Ltmp0:
0xde: {  	[sflag:s25] =	ssyncset.done $0x0;
	(pc) =	sbr.rel @p0 .LBB2_1-.Ltmp0, $4  }
0xdf: {  	[sflag:s25] =	ssyncadd.s32 $0xFFFF8000  }
0xe0: {  	_ =	swait.ge [sflag:s31], $0x8000  }
0xe1: {  	[sflag:s31] =	ssyncset.done $0x0  }
0xe2: {  	s20 =	sadd.s32 $0xFFFFFFFF, s20;
	[sflag:s31] =	ssyncadd.s32 $0xFFFF8000  }
0xe3: {  	_ =	sfence.sel $0x180000  }
0xe4: {  	[bflag:$0x0] =	sbarrier.arrive $0xFFFF  }
0xe5: {  	_ =	strace $0x90000047  }
0xe6: {  	s0 =	stileid.u32;
	[bflag:$0x2] =	sbarrier.arrive $0xFFFF  }
0xe7: {  	p0 =	sne.s32 s0, $0x0;
	s0 =	rddreg [dreg:$0x3]  }
0xe8: {  	s0 =	sadd.s32 @!p0 $0x100000, s0  }
0xe9: {  	[sflag:s0] =	ssyncadd.tile.s32 @!p0 $0x1;
	_ =	shalt  }
.Lfunc_end2:
_tile_overlayer_lowered:
.L_overlay_start_2:
0xea: {  	(tag) =	ssettag $0x2  }
0xeb: {  	s0 =	rddreg [dreg:$0x0];
	s2 =	stileid.u32  }
0xec: {  	s1 =	rddreg [dreg:$0x1];
	p0 =	sne.s32 s2, $0x0  }
0xed: {  	s3 =	rddreg [dreg:$0x2];
	[bflag:$0x3] =	sbarrier.arrive $0xFFFF;
	s2 =	simm.s32 @!p0 $0x1C07  }
0xee: {  	[timem:s3], [sflag:s2] =	dma.local @!p0 [hbm:s0], s1  }
0xef: {  	s0 =	simm.s32 @!p0 $0x7  }
0xf0: {  	_ =	swait.ge @!p0 [sflag:s0], s1  }
0xf1: {  	s1 =	ssub.s32 @!p0 $0x0, s1;
	[sflag:s0] =	ssyncset.done @!p0 $0x0  }
0xf2: {  	[sflag:s0] =	ssyncadd.s32 @!p0 s1  }
0xf3: {  	[bflag:$0x3] =	sbarrier.arrive $0xFFFF  }
0xf4: {  	_ =	shalt  }

</sc_bundles>
